<compile_context>
chip_gen: v7x
topology: tpu7x:2x2x1
jax: 0.10.2.dev20260603
libtpu: 0.0.44.dev20260713+nightly
codegen_flags: <defaults>
</compile_context>

<pallas_src>
import functools

import jax
import jax.numpy as jnp
from jax import lax
from jax.experimental import pallas as pl
from jax.experimental.pallas import tpu as pltpu
from jax.experimental.pallas import tpu_sc as plsc

_N_NODES = 10000
_N_EDGES = 320000
_N_PAD = 10240
_LANES = 16
_BLK = 5120


_CHUNK = 9984
_TAIL = _N_EDGES - 32 * _CHUNK


def _partial_hist(edges):
    info = plsc.get_sparse_core_info()
    nc, ns = info.num_cores, info.num_subcores
    nw = nc * ns
    mesh = plsc.VectorSubcoreMesh(core_axis_name="c", subcore_axis_name="s")

    @functools.partial(
        pl.kernel,
        mesh=mesh,
        out_type=jax.ShapeDtypeStruct((nw, _N_PAD), jnp.int32),
        scratch_types=[
            pltpu.VMEM((2, _CHUNK), jnp.int32),
            pltpu.VMEM((2, _TAIL), jnp.int32),
            pltpu.VMEM((_N_PAD,), jnp.int32),
        ],
        compiler_params=pltpu.CompilerParams(needs_layout_passes=False),
    )
    def hist(edge_hbm, out_hbm, idx_v, tail_v, cnt_v):
        wid = lax.axis_index("s") * nc + lax.axis_index("c")
        pltpu.sync_copy(edge_hbm.at[:, pl.ds(wid * _CHUNK, _CHUNK)], idx_v)

        zeros = jnp.zeros((_LANES,), jnp.int32)

        @plsc.parallel_loop(0, _N_PAD // _LANES, unroll=8)
        def _zero(i):
            cnt_v[pl.ds(i * _LANES, _LANES)] = zeros

        ones = jnp.ones((_LANES,), jnp.int32)

        @plsc.parallel_loop(0, _CHUNK // _LANES, unroll=16)
        def _scatter(i):
            idx = idx_v[0, pl.ds(i * _LANES, _LANES)]
            plsc.addupdate_scatter(cnt_v, [idx], ones)

        @pl.when(wid == nw - 1)
        def _tail():
            pltpu.sync_copy(edge_hbm.at[:, pl.ds(32 * _CHUNK, _TAIL)],
                            tail_v)

            @plsc.parallel_loop(0, _TAIL // _LANES, unroll=8)
            def _scatter_tail(i):
                idx = tail_v[0, pl.ds(i * _LANES, _LANES)]
                plsc.addupdate_scatter(cnt_v, [idx], ones)

        pltpu.sync_copy(cnt_v, out_hbm.at[wid])

    return hist(edges)


def _mlp_body(p_ref, h_ref, w1_ref, b1_ref, w2_ref, b2_ref, w3_ref, b3_ref,
              o_ref):
    hb = h_ref[...]
    x = jnp.maximum(
        jnp.dot(hb, w1_ref[...], preferred_element_type=jnp.float32)
        + b1_ref[...], 0.0)
    x = jnp.maximum(
        jnp.dot(x, w2_ref[...], preferred_element_type=jnp.float32)
        + b2_ref[...], 0.0)
    delta = (jnp.dot(x, w3_ref[...], preferred_element_type=jnp.float32)
             + b3_ref[...])
    p = p_ref[...].astype(jnp.float32)
    ones = jnp.ones((p.shape[0], 128), jnp.float32)
    cnt = lax.dot_general(p, ones, (((0,), (0,)), ((), ())),
                          preferred_element_type=jnp.float32)
    o_ref[...] = hb + cnt * delta


def kernel(h, edge_index, W1, b1, W2, b2, W3, b3):
    part = _partial_hist(edge_index.astype(jnp.int32))

    nw = part.shape[0]
    grid = _N_PAD // _BLK
    out = pl.pallas_call(
        _mlp_body,
        grid=(grid,),
        in_specs=[
            pl.BlockSpec((nw, _BLK), lambda i: (0, i)),
            pl.BlockSpec((_BLK, 128), lambda i: (i, 0)),
            pl.BlockSpec((128, 128), lambda i: (0, 0)),
            pl.BlockSpec((1, 128), lambda i: (0, 0)),
            pl.BlockSpec((128, 256), lambda i: (0, 0)),
            pl.BlockSpec((1, 256), lambda i: (0, 0)),
            pl.BlockSpec((256, 128), lambda i: (0, 0)),
            pl.BlockSpec((1, 128), lambda i: (0, 0)),
        ],
        out_specs=pl.BlockSpec((_BLK, 128), lambda i: (i, 0)),
        out_shape=jax.ShapeDtypeStruct((_N_NODES, 128), jnp.float32),
    )(part, h, W1, b1.reshape(1, -1), W2, b2.reshape(1, -1),
      W3, b3.reshape(1, -1))
    return out

# --- scband reference (transcript-rebuilt; emitter-appended) ---
"""Pipeline reference for scband-gnnlayer-1984274891278 (READ-ONLY COPY).

The authoritative reference and input builder live on the scoring server;
editing this copy changes nothing except your own understanding.
"""

import jax, jax.numpy as jnp
import numpy as np

NODE_DIM = 128
HIDDEN_DIM = 128
N_NODES = 10000
N_EDGES = 320000


def setup_inputs(seed: int = 0) -> dict:
    key = jax.random.key(seed)
    k_h, k_e, k1, k2, k3, kb1, kb2, kb3 = jax.random.split(key, 8)
    h = jax.random.normal(k_h, (N_NODES, NODE_DIM), dtype=jnp.float32)
    edge_index = jax.random.randint(k_e, (2, N_EDGES), 0, N_NODES, dtype=jnp.int64)
    s1 = 1.0 / np.sqrt(NODE_DIM)
    s2 = 1.0 / np.sqrt(HIDDEN_DIM)
    s3 = 1.0 / np.sqrt(HIDDEN_DIM * 2)
    W1 = jax.random.uniform(k1, (NODE_DIM, HIDDEN_DIM), dtype=jnp.float32, minval=-s1, maxval=s1)
    b1 = jax.random.uniform(kb1, (HIDDEN_DIM,), dtype=jnp.float32, minval=-s1, maxval=s1)
    W2 = jax.random.uniform(k2, (HIDDEN_DIM, HIDDEN_DIM * 2), dtype=jnp.float32, minval=-s2, maxval=s2)
    b2 = jax.random.uniform(kb2, (HIDDEN_DIM * 2,), dtype=jnp.float32, minval=-s2, maxval=s2)
    W3 = jax.random.uniform(k3, (HIDDEN_DIM * 2, NODE_DIM), dtype=jnp.float32, minval=-s3, maxval=s3)
    b3 = jax.random.uniform(kb3, (NODE_DIM,), dtype=jnp.float32, minval=-s3, maxval=s3)
    return {"h": h, "edge_index": edge_index, "W1": W1, "b1": b1, "W2": W2, "b2": b2, "W3": W3, "b3": b3}


def reference(h, edge_index, W1, b1, W2, b2, W3, b3):
    row = edge_index[0]
    # gather source-node features per edge
    node_feat = jnp.take(h, row, axis=0)
    # node MLP: Linear -> ReLU -> Linear -> ReLU -> Linear
    x = jax.nn.relu(node_feat @ W1 + b1)
    x = jax.nn.relu(x @ W2 + b2)
    delta_h = x @ W3 + b3
    # scatter-add back to nodes by row index, residual add
    agg = jnp.zeros_like(h).at[row].add(delta_h)
    return h + agg

if __name__ == "__main__":
    import jax
    _d = setup_inputs()
    print(jax.jit(kernel)(*tuple(_d.values())))

</pallas_src>

<mosaic_0001>
#map = affine_map<(d0, d1) -> (0, 0)>
module attributes {stable_mosaic.version = 14 : i64} {
  func.func @hist(%arg0: i32, %arg1: i32, %arg2: memref<2x320000xi32, #tpu.memory_space<hbm>>, %arg3: memref<32x10240xi32, #tpu.memory_space<hbm>>, %arg4: memref<2x9984xi32, #tpu.memory_space<vmem>>, %arg5: memref<2x512xi32, #tpu.memory_space<vmem>>, %arg6: memref<10240xi32, #tpu.memory_space<vmem>>) attributes {dimension_semantics = [#tpu.dimension_semantics<core_parallel>, #tpu.dimension_semantics<subcore_parallel>], iteration_bounds = array<i64: 2, 16>, scalar_prefetch = 0 : i64, scratch_operands = 3 : i64, tpu.core_type = #tpu.core_type<sc_vector_subcore>, window_params = [{transform_indices = #map}, {transform_indices = #map}]} {
    %mul3A = arith.constant 2 : i32
    %mul3A_0 = arith.muli %arg1, %mul3A : i32
    %add3A = arith.addi %mul3A_0, %arg0 : i32
    %mul3A_1 = arith.constant 9984 : i32
    %mul3A_2 = arith.muli %add3A, %mul3A_1 : i32
    "tpu.region"() ({
      %run_scoped3A = tpu.sem_alloc : memref<!tpu.dma_semaphore, #tpu.memory_space<semaphore_mem>>
      %dma_start3A = arith.constant 0 : i32
      %dma_start3A_13 = tpu.memref_slice %arg2[%dma_start3A, %mul3A_2] : memref<2x320000xi32, #tpu.memory_space<hbm>> -> memref<2x9984xi32, #tpu.memory_space<hbm>>
      %dma_start3A_14 = arith.constant 0 : i32
      %dma_start3A_15 = tpu.memref_slice %arg2[%dma_start3A_14, %mul3A_2] : memref<2x320000xi32, #tpu.memory_space<hbm>> -> memref<2x9984xi32, #tpu.memory_space<hbm>>
      tpu.enqueue_dma source(%dma_start3A_15 : memref<2x9984xi32, #tpu.memory_space<hbm>>) target(%arg4 : memref<2x9984xi32, #tpu.memory_space<vmem>>) target_semaphore(%run_scoped3A : memref<!tpu.dma_semaphore, #tpu.memory_space<semaphore_mem>>)
      %dma_wait3A = arith.constant 0 : i32
      %dma_wait3A_16 = tpu.memref_slice %arg2[%dma_wait3A, %mul3A_2] : memref<2x320000xi32, #tpu.memory_space<hbm>> -> memref<2x9984xi32, #tpu.memory_space<hbm>>
      %dma_wait3A_17 = arith.constant 0 : i32
      %dma_wait3A_18 = tpu.memref_slice %arg2[%dma_wait3A_17, %mul3A_2] : memref<2x320000xi32, #tpu.memory_space<hbm>> -> memref<2x9984xi32, #tpu.memory_space<hbm>>
      tpu.wait_dma2 semaphore(%run_scoped3A : memref<!tpu.dma_semaphore, #tpu.memory_space<semaphore_mem>>) src(%dma_wait3A_18 : memref<2x9984xi32, #tpu.memory_space<hbm>>) dst(%arg4 : memref<2x9984xi32, #tpu.memory_space<vmem>>)
      tpu.yield
    }) : () -> ()
    %broadcast_in_dim3A = arith.constant 0 : i32
    %broadcast_in_dim3A_3 = vector.broadcast %broadcast_in_dim3A : i32 to vector<16xi32>
    %parallel_loop3A = arith.constant 0 : i32
    %parallel_loop3A_4 = arith.constant 640 : i32
    %parallel_loop3A_5 = arith.constant 1 : i32
    scf.for %parallel_loop3A_13 = %parallel_loop3A to %parallel_loop3A_4 step %parallel_loop3A_5  : i32 {
      %parallel_loop3A_14 = arith.constant 16 : i32
      %parallel_loop3A_15 = arith.muli %parallel_loop3A_13, %parallel_loop3A_14 : i32
      %parallel_loop3A_16 = arith.index_cast %parallel_loop3A_15 : i32 to index
      %parallel_loop3A_17 = tpu.vector_load %arg6[%parallel_loop3A_16] {strides = array<i32>} : memref<10240xi32, #tpu.memory_space<vmem>>, vector<16xi32>,
      tpu.vector_store %arg6[%parallel_loop3A_16], %broadcast_in_dim3A_3 {strides = array<i32>} : memref<10240xi32, #tpu.memory_space<vmem>>, vector<16xi32>,
    } {sc.loop_unroll_factor = 8 : i64, sc.parallel_access}
    %broadcast_in_dim3A_6 = arith.constant 1 : i32
    %broadcast_in_dim3A_7 = vector.broadcast %broadcast_in_dim3A_6 : i32 to vector<16xi32>
    %parallel_loop3A_8 = arith.constant 0 : i32
    %parallel_loop3A_9 = arith.constant 624 : i32
    %parallel_loop3A_10 = arith.constant 1 : i32
    scf.for %parallel_loop3A_13 = %parallel_loop3A_8 to %parallel_loop3A_9 step %parallel_loop3A_10  : i32 {
      %parallel_loop3A_14 = arith.constant 16 : i32
      %parallel_loop3A_15 = arith.muli %parallel_loop3A_13, %parallel_loop3A_14 : i32
      %parallel_loop3A_16 = arith.constant 0 : i32
      %parallel_loop3A_17 = arith.index_cast %parallel_loop3A_16 : i32 to index
      %parallel_loop3A_18 = arith.index_cast %parallel_loop3A_15 : i32 to index
      %parallel_loop3A_19 = tpu.vector_load %arg4[%parallel_loop3A_17, %parallel_loop3A_18] {strides = array<i32>} : memref<2x9984xi32, #tpu.memory_space<vmem>>, vector<16xi32>,
      tpu.vector_store_idx %arg6[%parallel_loop3A_19], %broadcast_in_dim3A_7 {add = true} : memref<10240xi32, #tpu.memory_space<vmem>>[vector<16xi32>], vector<16xi32>,
    } {sc.loop_unroll_factor = 16 : i64, sc.parallel_access}
    %eq3A = arith.constant 31 : i32
    %eq3A_11 = arith.cmpi eq, %add3A, %eq3A : i32
    %convert_element_type3A = arith.extui %eq3A_11 : i1 to i32
    %cond3A = arith.constant 0 : i32
    %cond3A_12 = arith.cmpi ne, %convert_element_type3A, %cond3A : i32
    scf.if %cond3A_12 {
      "tpu.region"() ({
        %run_scoped3A = tpu.sem_alloc : memref<!tpu.dma_semaphore, #tpu.memory_space<semaphore_mem>>
        %dma_start3A = arith.constant 0 : i32
        %dma_start3A_16 = arith.constant 319488 : i32
        %dma_start3A_17 = tpu.memref_slice %arg2[%dma_start3A, %dma_start3A_16] : memref<2x320000xi32, #tpu.memory_space<hbm>> -> memref<2x512xi32, #tpu.memory_space<hbm>>
        %dma_start3A_18 = arith.constant 0 : i32
        %dma_start3A_19 = arith.constant 319488 : i32
        %dma_start3A_20 = tpu.memref_slice %arg2[%dma_start3A_18, %dma_start3A_19] : memref<2x320000xi32, #tpu.memory_space<hbm>> -> memref<2x512xi32, #tpu.memory_space<hbm>>
        tpu.enqueue_dma source(%dma_start3A_20 : memref<2x512xi32, #tpu.memory_space<hbm>>) target(%arg5 : memref<2x512xi32, #tpu.memory_space<vmem>>) target_semaphore(%run_scoped3A : memref<!tpu.dma_semaphore, #tpu.memory_space<semaphore_mem>>)
        %dma_wait3A = arith.constant 0 : i32
        %dma_wait3A_21 = arith.constant 319488 : i32
        %dma_wait3A_22 = tpu.memref_slice %arg2[%dma_wait3A, %dma_wait3A_21] : memref<2x320000xi32, #tpu.memory_space<hbm>> -> memref<2x512xi32, #tpu.memory_space<hbm>>
        %dma_wait3A_23 = arith.constant 0 : i32
        %dma_wait3A_24 = arith.constant 319488 : i32
        %dma_wait3A_25 = tpu.memref_slice %arg2[%dma_wait3A_23, %dma_wait3A_24] : memref<2x320000xi32, #tpu.memory_space<hbm>> -> memref<2x512xi32, #tpu.memory_space<hbm>>
        tpu.wait_dma2 semaphore(%run_scoped3A : memref<!tpu.dma_semaphore, #tpu.memory_space<semaphore_mem>>) src(%dma_wait3A_25 : memref<2x512xi32, #tpu.memory_space<hbm>>) dst(%arg5 : memref<2x512xi32, #tpu.memory_space<vmem>>)
        tpu.yield
      }) : () -> ()
      %parallel_loop3A_13 = arith.constant 0 : i32
      %parallel_loop3A_14 = arith.constant 32 : i32
      %parallel_loop3A_15 = arith.constant 1 : i32
      scf.for %parallel_loop3A_16 = %parallel_loop3A_13 to %parallel_loop3A_14 step %parallel_loop3A_15  : i32 {
        %parallel_loop3A_17 = arith.constant 16 : i32
        %parallel_loop3A_18 = arith.muli %parallel_loop3A_16, %parallel_loop3A_17 : i32
        %parallel_loop3A_19 = arith.constant 0 : i32
        %parallel_loop3A_20 = arith.index_cast %parallel_loop3A_19 : i32 to index
        %parallel_loop3A_21 = arith.index_cast %parallel_loop3A_18 : i32 to index
        %parallel_loop3A_22 = tpu.vector_load %arg5[%parallel_loop3A_20, %parallel_loop3A_21] {strides = array<i32>} : memref<2x512xi32, #tpu.memory_space<vmem>>, vector<16xi32>,
        tpu.vector_store_idx %arg6[%parallel_loop3A_22], %broadcast_in_dim3A_7 {add = true} : memref<10240xi32, #tpu.memory_space<vmem>>[vector<16xi32>], vector<16xi32>,
      } {sc.loop_unroll_factor = 8 : i64, sc.parallel_access}
    } else {
    }
    "tpu.region"() ({
      %run_scoped3A = tpu.sem_alloc : memref<!tpu.dma_semaphore, #tpu.memory_space<semaphore_mem>>
      %dma_start3A = arith.constant 0 : i32
      %dma_start3A_13 = tpu.memref_slice %arg3[%add3A, %dma_start3A] : memref<32x10240xi32, #tpu.memory_space<hbm>> -> memref<1x10240xi32, #tpu.memory_space<hbm>>
      %dma_start3A_14 = tpu.memref_squeeze %dma_start3A_13 : memref<1x10240xi32, #tpu.memory_space<hbm>> -> memref<10240xi32, #tpu.memory_space<hbm>>
      %dma_start3A_15 = arith.constant 0 : i32
      %dma_start3A_16 = tpu.memref_slice %arg3[%add3A, %dma_start3A_15] : memref<32x10240xi32, #tpu.memory_space<hbm>> -> memref<1x10240xi32, #tpu.memory_space<hbm>>
      %dma_start3A_17 = tpu.memref_squeeze %dma_start3A_16 : memref<1x10240xi32, #tpu.memory_space<hbm>> -> memref<10240xi32, #tpu.memory_space<hbm>>
      tpu.enqueue_dma source(%arg6 : memref<10240xi32, #tpu.memory_space<vmem>>) target(%dma_start3A_17 : memref<10240xi32, #tpu.memory_space<hbm>>) target_semaphore(%run_scoped3A : memref<!tpu.dma_semaphore, #tpu.memory_space<semaphore_mem>>)
      %dma_wait3A = arith.constant 0 : i32
      %dma_wait3A_18 = tpu.memref_slice %arg3[%add3A, %dma_wait3A] : memref<32x10240xi32, #tpu.memory_space<hbm>> -> memref<1x10240xi32, #tpu.memory_space<hbm>>
      %dma_wait3A_19 = tpu.memref_squeeze %dma_wait3A_18 : memref<1x10240xi32, #tpu.memory_space<hbm>> -> memref<10240xi32, #tpu.memory_space<hbm>>
      %dma_wait3A_20 = arith.constant 0 : i32
      %dma_wait3A_21 = tpu.memref_slice %arg3[%add3A, %dma_wait3A_20] : memref<32x10240xi32, #tpu.memory_space<hbm>> -> memref<1x10240xi32, #tpu.memory_space<hbm>>
      %dma_wait3A_22 = tpu.memref_squeeze %dma_wait3A_21 : memref<1x10240xi32, #tpu.memory_space<hbm>> -> memref<10240xi32, #tpu.memory_space<hbm>>
      tpu.wait_dma2 semaphore(%run_scoped3A : memref<!tpu.dma_semaphore, #tpu.memory_space<semaphore_mem>>) src(%arg6 : memref<10240xi32, #tpu.memory_space<vmem>>) dst(%dma_wait3A_22 : memref<10240xi32, #tpu.memory_space<hbm>>)
      tpu.yield
    }) : () -> ()
    return
  }
}

module attributes {stable_mosaic.version = 14 : i64} {
  func.func @_mlp_body(%arg0: i32, %arg1: memref<32x5120xi32, #tpu.memory_space<vmem>>, %arg2: memref<5120x128xf32, #tpu.memory_space<vmem>>, %arg3: memref<128x128xf32, #tpu.memory_space<vmem>>, %arg4: memref<1x128xf32, #tpu.memory_space<vmem>>, %arg5: memref<128x256xf32, #tpu.memory_space<vmem>>, %arg6: memref<1x256xf32, #tpu.memory_space<vmem>>, %arg7: memref<256x128xf32, #tpu.memory_space<vmem>>, %arg8: memref<1x128xf32, #tpu.memory_space<vmem>>, %arg9: memref<5120x128xf32, #tpu.memory_space<vmem>>) attributes {dimension_semantics = [#tpu.dimension_semantics<arbitrary>], iteration_bounds = array<i64: 2>, scalar_prefetch = 0 : i64, scratch_operands = 0 : i64, tpu.core_type = #tpu.core_type<tc>, window_params = [{transform_indices = @transform_0, window_bounds = array<i64: 32, 5120>}, {transform_indices = @transform_1, window_bounds = array<i64: 5120, 128>}, {pipeline_mode = #tpu.pipeline_mode<synchronous>, transform_indices = @transform_2, window_bounds = array<i64: 128, 128>}, {pipeline_mode = #tpu.pipeline_mode<synchronous>, transform_indices = @transform_3, window_bounds = array<i64: 1, 128>}, {pipeline_mode = #tpu.pipeline_mode<synchronous>, transform_indices = @transform_4, window_bounds = array<i64: 128, 256>}, {pipeline_mode = #tpu.pipeline_mode<synchronous>, transform_indices = @transform_5, window_bounds = array<i64: 1, 256>}, {pipeline_mode = #tpu.pipeline_mode<synchronous>, transform_indices = @transform_6, window_bounds = array<i64: 256, 128>}, {pipeline_mode = #tpu.pipeline_mode<synchronous>, transform_indices = @transform_7, window_bounds = array<i64: 1, 128>}, {transform_indices = @transform_8, window_bounds = array<i64: 5120, 128>}]} {
    %get3A = arith.constant 0 : index
    %get3A_0 = arith.constant 0 : index
    %get3A_1 = vector.load %arg2[%get3A, %get3A_0] : memref<5120x128xf32, #tpu.memory_space<vmem>>, vector<5120x128xf32>
    %get3A_2 = arith.constant 0 : index
    %get3A_3 = arith.constant 0 : index
    %get3A_4 = vector.load %arg3[%get3A_2, %get3A_3] : memref<128x128xf32, #tpu.memory_space<vmem>>, vector<128x128xf32>
    %dot_general3A = arith.constant dense<0.000000e+00> : vector<5120x128xf32>
    %dot_general3A_5 = tpu.matmul %get3A_1, %get3A_4, %dot_general3A {dimension_numbers = #tpu.dot_dimension_numbers<[1], [0], [0], [1], [0, 0, 1, 1], [], []>, transpose_lhs_hint = false} : vector<5120x128xf32>, vector<128x128xf32>, vector<5120x128xf32> -> vector<5120x128xf32>
    %get3A_6 = arith.constant 0 : index
    %get3A_7 = arith.constant 0 : index
    %get3A_8 = vector.load %arg4[%get3A_6, %get3A_7] : memref<1x128xf32, #tpu.memory_space<vmem>>, vector<1x128xf32>
    %add3A = vector.broadcast %get3A_8 : vector<1x128xf32> to vector<5120x128xf32>
    %add3A_9 = arith.addf %dot_general3A_5, %add3A : vector<5120x128xf32>
    %max3A = arith.constant 0.000000e+00 : f32
    %max3A_10 = vector.broadcast %max3A : f32 to vector<5120x128xf32>
    %max3A_11 = arith.maximumf %add3A_9, %max3A_10 : vector<5120x128xf32>
    %get3A_12 = arith.constant 0 : index
    %get3A_13 = arith.constant 0 : index
    %get3A_14 = vector.load %arg5[%get3A_12, %get3A_13] : memref<128x256xf32, #tpu.memory_space<vmem>>, vector<128x256xf32>
    %dot_general3A_15 = arith.constant dense<0.000000e+00> : vector<5120x256xf32>
    %dot_general3A_16 = tpu.matmul %max3A_11, %get3A_14, %dot_general3A_15 {dimension_numbers = #tpu.dot_dimension_numbers<[1], [0], [0], [1], [0, 0, 1, 1], [], []>, transpose_lhs_hint = false} : vector<5120x128xf32>, vector<128x256xf32>, vector<5120x256xf32> -> vector<5120x256xf32>
    %get3A_17 = arith.constant 0 : index
    %get3A_18 = arith.constant 0 : index
    %get3A_19 = vector.load %arg6[%get3A_17, %get3A_18] : memref<1x256xf32, #tpu.memory_space<vmem>>, vector<1x256xf32>
    %add3A_20 = vector.broadcast %get3A_19 : vector<1x256xf32> to vector<5120x256xf32>
    %add3A_21 = arith.addf %dot_general3A_16, %add3A_20 : vector<5120x256xf32>
    %max3A_22 = arith.constant 0.000000e+00 : f32
    %max3A_23 = vector.broadcast %max3A_22 : f32 to vector<5120x256xf32>
    %max3A_24 = arith.maximumf %add3A_21, %max3A_23 : vector<5120x256xf32>
    %get3A_25 = arith.constant 0 : index
    %get3A_26 = arith.constant 0 : index
    %get3A_27 = vector.load %arg7[%get3A_25, %get3A_26] : memref<256x128xf32, #tpu.memory_space<vmem>>, vector<256x128xf32>
    %dot_general3A_28 = arith.constant dense<0.000000e+00> : vector<5120x128xf32>
    %dot_general3A_29 = tpu.matmul %max3A_24, %get3A_27, %dot_general3A_28 {dimension_numbers = #tpu.dot_dimension_numbers<[1], [0], [0], [1], [0, 0, 1, 1], [], []>, transpose_lhs_hint = false} : vector<5120x256xf32>, vector<256x128xf32>, vector<5120x128xf32> -> vector<5120x128xf32>
    %get3A_30 = arith.constant 0 : index
    %get3A_31 = arith.constant 0 : index
    %get3A_32 = vector.load %arg8[%get3A_30, %get3A_31] : memref<1x128xf32, #tpu.memory_space<vmem>>, vector<1x128xf32>
    %add3A_33 = vector.broadcast %get3A_32 : vector<1x128xf32> to vector<5120x128xf32>
    %add3A_34 = arith.addf %dot_general3A_29, %add3A_33 : vector<5120x128xf32>
    %get3A_35 = arith.constant 0 : index
    %get3A_36 = arith.constant 0 : index
    %get3A_37 = vector.load %arg1[%get3A_35, %get3A_36] : memref<32x5120xi32, #tpu.memory_space<vmem>>, vector<32x5120xi32>
    %convert_element_type3A = arith.sitofp %get3A_37 : vector<32x5120xi32> to vector<32x5120xf32>
    %broadcast_in_dim3A = arith.constant 1.000000e+00 : f32
    %broadcast_in_dim3A_38 = vector.broadcast %broadcast_in_dim3A : f32 to vector<32x128xf32>
    %dot_general3A_39 = arith.constant dense<0.000000e+00> : vector<5120x128xf32>
    %dot_general3A_40 = tpu.matmul %convert_element_type3A, %broadcast_in_dim3A_38, %dot_general3A_39 {dimension_numbers = #tpu.dot_dimension_numbers<[0], [0], [1], [1], [0, 1, 1, 1], [], []>, transpose_lhs_hint = false} : vector<32x5120xf32>, vector<32x128xf32>, vector<5120x128xf32> -> vector<5120x128xf32>
    %mul3A = arith.mulf %dot_general3A_40, %add3A_34 : vector<5120x128xf32>
    %add3A_41 = arith.addf %get3A_1, %mul3A : vector<5120x128xf32>
    %swap3A = arith.constant 0 : index
    %swap3A_42 = arith.constant 0 : index
    %swap3A_43 = vector.load %arg9[%swap3A, %swap3A_42] : memref<5120x128xf32, #tpu.memory_space<vmem>>, vector<5120x128xf32>
    tpu.vector_store %arg9[%swap3A, %swap3A_42], %add3A_41 {strides = array<i32>} : memref<5120x128xf32, #tpu.memory_space<vmem>>, vector<5120x128xf32>,
    return
  }
  func.func @transform_0(%arg0: i32) -> (i32, i32) {
    %c0_i32 = arith.constant 0 : i32
    %c0_i32_0 = arith.constant 0 : i32
    return %c0_i32, %arg0 : i32, i32
  }
  func.func @transform_1(%arg0: i32) -> (i32, i32) {
    %c0_i32 = arith.constant 0 : i32
    %c0_i32_0 = arith.constant 0 : i32
    return %arg0, %c0_i32 : i32, i32
  }
  func.func @transform_2(%arg0: i32) -> (i32, i32) {
    %c0_i32 = arith.constant 0 : i32
    %c0_i32_0 = arith.constant 0 : i32
    %c0_i32_1 = arith.constant 0 : i32
    return %c0_i32, %c0_i32_0 : i32, i32
  }
  func.func @transform_3(%arg0: i32) -> (i32, i32) {
    %c0_i32 = arith.constant 0 : i32
    %c0_i32_0 = arith.constant 0 : i32
    %c0_i32_1 = arith.constant 0 : i32
    return %c0_i32, %c0_i32_0 : i32, i32
  }
  func.func @transform_4(%arg0: i32) -> (i32, i32) {
    %c0_i32 = arith.constant 0 : i32
    %c0_i32_0 = arith.constant 0 : i32
    %c0_i32_1 = arith.constant 0 : i32
    return %c0_i32, %c0_i32_0 : i32, i32
  }
  func.func @transform_5(%arg0: i32) -> (i32, i32) {
    %c0_i32 = arith.constant 0 : i32
    %c0_i32_0 = arith.constant 0 : i32
    %c0_i32_1 = arith.constant 0 : i32
    return %c0_i32, %c0_i32_0 : i32, i32
  }
  func.func @transform_6(%arg0: i32) -> (i32, i32) {
    %c0_i32 = arith.constant 0 : i32
    %c0_i32_0 = arith.constant 0 : i32
    %c0_i32_1 = arith.constant 0 : i32
    return %c0_i32, %c0_i32_0 : i32, i32
  }
  func.func @transform_7(%arg0: i32) -> (i32, i32) {
    %c0_i32 = arith.constant 0 : i32
    %c0_i32_0 = arith.constant 0 : i32
    %c0_i32_1 = arith.constant 0 : i32
    return %c0_i32, %c0_i32_0 : i32, i32
  }
  func.func @transform_8(%arg0: i32) -> (i32, i32) {
    %c0_i32 = arith.constant 0 : i32
    %c0_i32_0 = arith.constant 0 : i32
    return %arg0, %c0_i32 : i32, i32
  }
}

</mosaic_0001>

<sc_bundles>
// kernel: kernel.4.cloned.1.call-start
scs
__scs_entry_jumppad:
0x0: {  	(pc) =	sbr.rel $0x88, $3  }
0x1: {  	(tag) =	ssettag $0x0;
	lr =	simm.s32 $0x1  }
0x2: {  	[smem:$0x3F99] =	sst lr;
	_ =	strace $0xD0000000  }
0x3: {  	_ = 	snop  }
0x4: {  	_ = 	snop  }
0x5: {  	_ = 	snop  }
0x6: {  	_ = 	snop  }
0x7: {  	_ = 	snop  }
__scs_overlays_trampoline_lowered:
0x8: {  	[smem:$0x3FA8] =	sst s0  }
0x9: {  	[smem:$0x3FA9] =	sst s1  }
0xa: {  	[smem:$0x3FAA] =	sst s2  }
0xb: {  	[smem:$0x3FAB] =	sst s3  }
0xc: {  	[smem:$0x3FAC] =	sst s4  }
0xd: {  	[smem:$0x3FAD] =	sst s5  }
0xe: {  	[smem:$0x3FAE] =	sst s6  }
0xf: {  	[smem:$0x3FAF] =	sst s7  }
0x10: {  	[smem:$0x3FB0] =	sst s8  }
0x11: {  	[smem:$0x3FB1] =	sst s9;
	s0 =	simm.s32 @!p0 $0x0  }
0x12: {  	s1 =	sld [smem:$0x3F97];
	s0 =	simm.s32 @p0 $0x1  }
0x13: {  	[smem:$0x3FB2] =	sst s0;
	s0 =	simm.s32 @!p1 $0x0  }
0x14: {  	s2 =	sld [smem:$0x3F96];
	s0 =	simm.s32 @p1 $0x1  }
0x15: {  	[smem:$0x3FB3] =	sst s0;
	s0 =	simm.s32 @!p2 $0x0  }
0x16: {  	s3 =	sld [smem:$0x3FDB];
	s0 =	simm.s32 @p2 $0x1  }
0x17: {  	s4 =	simm.s32 $0x1BF5;
	[smem:$0x3FB5] =	sst s0  }
0x18: {  	s0 =	sld [smem:$0x3F98];
	_ =	swait.ge [sflag:s4], $0x0  }
0x19: {  	s7 =	sld [smem:$0x3F99]  }
0x1a: {  	s8 =	sadd.s32 $0xFFFFE003, lr  }
0x1b: {  	s9 =	sadd.s32 $0xFFFFFEF7, lr;
	s5 =	simm.s32 $0xFFFFFFFF;
	p2 =	slt.u32 s8, $0xFFFFF086  }
0x1c: {  	p1 =	slt.u32 s9, $0xF7A;
	s5 =	simm.s32 @!p2 $0x0  }
0x1d: {  	s5 =	simm.s32 @p1 $0x1;
	p0 =	seq.s32 s7, s2  }
0x1e: {  	s7 =	smul.u32 @!p0 $0xF7A, s2;
	p2 =	seq.s32 @!p0 s5, $0x0  }
0x1f: {  	s9 =	smul.u32 $0xF7A, s1;
	s8 =	simm.s32 @!p0 $0x1BF5;
	p2 =	por !p2, p0  }
0x20: {  	[sflag:s8] =	ssyncset.s32 @!p0 $0xFFFFF086;
	s6 =	sadd.s32 @!p0 s3, s7;
	s7 =	simm.s32 @!p0 $0x108  }
0x21: {  	s3 =	sadd.s32 s3, s9;
	s6 =	sadd.s32 @!p0 $0x88, s6;
	s7 =	simm.s32 @p2 $0x1082  }
0x22: {  	[simem:s7], [sflag:s8] =	dma.local @!p0 [hbm:s6], $0xF7A  }
0x23: {  	s9 =	sor.u32 $0xD0000000, s2;
	s6 =	simm.s32 $0x108;
	_ =	swait.ge @!p0 [sflag:s8], $0x0  }
0x24: {  	s3 =	sadd.s32 $0x88, s3;
	s6 =	simm.s32 @!p1 $0x1082;
	[sflag:s4] =	ssyncset.s32 $0xFFFFF086  }
0x25: {  	[simem:s6], [sflag:s4] =	dma.local [hbm:s3], $0xF7A  }
0x26: {  	[smem:$0x3F99] =	sst s1;
	(tag) =	ssettag s2;
	_ =	strace s9  }
0x27: {  	s1 =	sld [smem:$0x3FA9]  }
0x28: {  	s2 =	sld [smem:$0x3FAA]  }
0x29: {  	s4 =	sld [smem:$0x3FAC]  }
0x2a: {  	p0 =	seq.s32 s5, $0x0;
	s5 =	sld [smem:$0x3FAD]  }
0x2b: {  	s6 =	sld [smem:$0x3FAE]  }
0x2c: {  	s7 =	sld [smem:$0x3FAF]  }
0x2d: {  	s3 =	simm.s32 $0x108;
	s8 =	sld [smem:$0x3FB0]  }
0x2e: {  	s3 =	simm.s32 @!p0 $0x1082;
	s9 =	sld [smem:$0x3FB1]  }
0x2f: {  	lr =	sadd.s32 s0, s3;
	s0 =	sld [smem:$0x3FA8]  }
0x30: {  	s3 =	sld [smem:$0x3FAB]  }
0x31: {  	[smem:$0x3FB4] =	sst s10  }
0x32: {  	s10 =	sld [smem:$0x3FB2];
	_ =	sdelay $0x3  }
0x33: {  	p0 =	seq.s32 s10, $0x1;
	s10 =	sld [smem:$0x3FB4];
	_ =	sdelay $0x3  }
0x34: {  	[smem:$0x3FB4] =	sst s10  }
0x35: {  	s10 =	sld [smem:$0x3FB3];
	_ =	sdelay $0x3  }
0x36: {  	p1 =	seq.s32 s10, $0x1;
	s10 =	sld [smem:$0x3FB4];
	_ =	sdelay $0x3  }
0x37: {  	[smem:$0x3FB4] =	sst s10  }
0x38: {  	s10 =	sld [smem:$0x3FB5]  }
0x39: {  	_ = 	snop;
	(pc) =	sbr.ind lr, $3  }
0x3a: {  	_ = 	snop  }
0x3b: {  	_ = 	snop  }
0x3c: {  	p2 =	seq.s32 s10, $0x1;
	s10 =	sld [smem:$0x3FB4]  }
0x3d: {  	_ =	shalt  }
0x3e: {  	_ =	shalt  }
0x3f: {  	_ =	shalt  }
0x40: {  	_ =	shalt  }
0x41: {  	_ =	shalt  }
0x42: {  	_ =	shalt  }
0x43: {  	_ =	shalt  }
0x44: {  	_ =	shalt  }
0x45: {  	_ =	shalt  }
0x46: {  	_ =	shalt  }
0x47: {  	_ =	shalt  }
0x48: {  	_ =	shalt  }
0x49: {  	_ =	shalt  }
0x4a: {  	_ =	shalt  }
0x4b: {  	_ =	shalt  }
0x4c: {  	_ =	shalt  }
0x4d: {  	_ =	shalt  }
0x4e: {  	_ =	shalt  }
0x4f: {  	_ =	shalt  }
0x50: {  	_ =	shalt  }
0x51: {  	_ =	shalt  }
0x52: {  	_ =	shalt  }
0x53: {  	_ =	shalt  }
0x54: {  	_ =	shalt  }
0x55: {  	_ =	shalt  }
0x56: {  	_ =	shalt  }
0x57: {  	_ =	shalt  }
0x58: {  	_ =	shalt  }
0x59: {  	_ =	shalt  }
0x5a: {  	_ =	shalt  }
0x5b: {  	_ =	shalt  }
0x5c: {  	_ =	shalt  }
0x5d: {  	_ =	shalt  }
0x5e: {  	_ =	shalt  }
0x5f: {  	_ =	shalt  }
0x60: {  	_ =	shalt  }
0x61: {  	_ =	shalt  }
0x62: {  	_ =	shalt  }
0x63: {  	_ =	shalt  }
0x64: {  	_ =	shalt  }
0x65: {  	_ =	shalt  }
0x66: {  	_ =	shalt  }
0x67: {  	_ =	shalt  }
0x68: {  	_ =	shalt  }
0x69: {  	_ =	shalt  }
0x6a: {  	_ =	shalt  }
0x6b: {  	_ =	shalt  }
0x6c: {  	_ =	shalt  }
0x6d: {  	_ =	shalt  }
0x6e: {  	_ =	shalt  }
0x6f: {  	_ =	shalt  }
0x70: {  	_ =	shalt  }
0x71: {  	_ =	shalt  }
0x72: {  	_ =	shalt  }
0x73: {  	_ =	shalt  }
0x74: {  	_ =	shalt  }
0x75: {  	_ =	shalt  }
0x76: {  	_ =	shalt  }
0x77: {  	_ =	shalt  }
0x78: {  	_ =	shalt  }
0x79: {  	_ =	shalt  }
0x7a: {  	_ =	shalt  }
0x7b: {  	_ =	shalt  }
0x7c: {  	_ =	shalt  }
0x7d: {  	_ =	shalt  }
0x7e: {  	_ =	shalt  }
0x7f: {  	_ =	shalt  }
0x80: {  	_ =	shalt  }
0x81: {  	_ =	shalt  }
0x82: {  	_ =	shalt  }
0x83: {  	_ =	shalt  }
0x84: {  	_ =	shalt  }
0x85: {  	_ =	shalt  }
0x86: {  	_ =	shalt  }
0x87: {  	_ =	shalt  }
.Lfunc_end0:
.L_simem_size_0:
called_computation_lowered:
.L_overlay_start_0:
0x88: {  	s2 =	sld [smem:$0x3FD9]  }
0x89: {  	s3 =	sld [smem:$0x3FFE];
	_ =	sdelay $0x1  }
0x8a: {  	s1 =	srdreg.scid  }
0x8b: {  	s0 =	sand.u32 $0x1, s1  }
0x8c: {  	s18 =	sshll.u32 s0, $0xA;
	s2 =	sadd.s32 s3, s2  }
0x8d: {  	s2 =	sadd.s32 s2, s18  }
0x8e: {  	[smem:$0x3FC0] =	sst s2  }
0x8f: {  	_ = 	snop  }
0x90: {  	s2 =	sld [smem:$0x3FC8]  }
0x91: {  	s19 =	sld [smem:$0x3FD0];
	(tm) =	ssettm $0x1  }
0x92: {  	s4 =	sld [smem:$0x3FFB];
	_ =	sdelay $0x3  }
0x93: {  	_ =	strace s4  }
0x94: {  	s4 =	sld [smem:$0x3FFC];
	_ =	sdelay $0x3  }
0x95: {  	_ =	strace s4  }
0x96: {  	s4 =	sld [smem:$0x3FFD];
	_ =	sdelay $0x3  }
0x97: {  	_ =	strace s4  }
0x98: {  	_ =	strace $0x8FFFFFFF  }
0x99: {  	s20 =	sld [smem:$0x3FDB];
	_ =	sdelay $0x1  }
0x9a: {  	s5 =	simm.s32 $_scs_section_size  }
0x9b: {  	s6 =	simm.s32 $_size__tile_overlayer_lowered;
	s7 =	simm.s32 $_tile_overlayer_lowered  }
0x9c: {  	s23 =	simm.s32 $0x1BFF;
	s22 =	sshll.u32 s7, $0x1;
	s4 =	sadd.s32 s5, s20  }
0x9d: {  	s8 =	simm.s32 $0x0;
	s21 =	sshll.u32 s6, $0x1;
	s6 =	sadd.s32 s22, s4  }
0x9e: {  	[timem:s8], [sflag:s23] =	dma.local [hbm:s6], s21  }
0x9f: {  	_ =	swait.ge [sflag:s23], s21  }
0xa0: {  	s5 =	ssub.s32 $0x0, s21;
	[sflag:s23] =	ssyncset.done $0x0  }
0xa1: {  	[sflag:s23] =	ssyncadd.s32 s5;
	_ =	sdelay $0x1  }
0xa2: {  	s24 =	simm.s32 $0x1B8B  }
0xa3: {  	_ =	swait.ge [sflag:s24], $0x1  }
0xa4: {  	[sflag:s24] =	ssyncset.done $0x0  }
0xa5: {  	s25 =	simm.s32 $0x1B8E;
	[sflag:s24] =	ssyncadd.s32 $0xFFFFFFFF  }
0xa6: {  	s26 =	simm.s32 $execute0_lowered;
	[smem:$0x3FD2] =	sst s25  }
0xa7: {  	s5 =	sshll.u32 s26, $0x1;
	_ =	strace $0x80000046;
	[dreg:$0x1] =	wrdreg $0xFFFFFFFF  }
0xa8: {  	s28 =	simm.s32 $_size_execute0_lowered;
	s4 =	sadd.s32 s4, s5;
	[dreg:$0x0] =	wrdreg $0x0  }
0xa9: {  	s5 =	sshll.u32 s28, $0x1;
	[dreg:$0x2] =	wrdreg s4  }
0xaa: {  	[dreg:$0x3] =	wrdreg s5  }
0xab: {  	[dreg:$0x4] =	wrdreg $0xC0  }
0xac: {  	_ =	task [dreg:s8], $0x5FFFF  }
0xad: {  	[dreg:$0x1] =	wrdreg $0xFFFFFFFF  }
0xae: {  	[dreg:$0x0] =	wrdreg $0x60  }
0xaf: {  	[dreg:$0x2] =	wrdreg s2  }
0xb0: {  	[dreg:$0x3] =	wrdreg s19  }
0xb1: {  	[dreg:$0x4] =	wrdreg $0x9  }
0xb2: {  	_ =	task.clear_ibuf [dreg:s8], $0x5FFFF;
	_ =	strace $0x90000046  }
0xb3: {  	s29 =	simm.s32 $0x9;
	_ =	strace $0x80000048  }
0xb4: {  	_ =	swait.ge [sflag:s29], $0x1  }
0xb5: {  	[sflag:s29] =	ssyncadd.s32 $0xFFFFFFFF  }
0xb6: {  	_ =	strace $0x90000048  }
0xb7: {  	_ =	sfence  }
0xb8: {  	s30 =	sld [smem:$0x0];
	_ =	sdelay $0x2  }
0xb9: {  	s31 =	sshll.u32 s1, $0xD;
	s1 =	sshrl.u32 s1, $0x2  }
0xba: {  	s3 =	sand.u32 $0x4000, s31;
	s1 =	sadd.s32 s1, s30  }
0xbb: {  	s0 =	sor.u32 s3, s0;
	s1 =	sshll.u32 s1, $0x11  }
0xbc: {  	s0 =	sor.u32 s1, s0  }
0xbd: {  	s0 =	sadd.s32 $0x8F2B, s0  }
0xbe: {  	[sflag:s0] =	ssyncadd.remote.s32 $0x1  }
0xbf: {  	_ =	sfence.sel $0xFFFF  }
0xc0: {  	[dreg:$0x0] =	wrdreg $0xFFFFFFFF;
	(pc) =	sbr.abs _section_cstart, $3  }
0xc1: {  	[dreg:$0x1] =	wrdreg $0xFFFFFFFF  }
0xc2: {  	_ =	task.clear_ibuf [dreg:s8], $0x2FFFF;
	_ =	strace $0x9FFFFFFF  }
0xc3: {  	(tm) =	ssettm $0x7FFFFFFF  }
tec
execute0_lowered:
.L_overlay_start_1:
0x0: {  	(tag) =	ssettag $0x1  }
0x1: {  	s4 =	rddreg [dreg:$0x0]  }
0x2: {  	s5 =	rddreg [dreg:$0x1]  }
0x3: {  	s0 =	rddreg [dreg:$0x2]  }
0x4: {  	s3 =	srdreg.scid;
	s1 =	stileid.u32;
	s2 =	simm.s32 $0x0  }
0x5: {  	s11 =	simm.s32 $0x400;
	s12 =	simm.s32 $0x0;
	s3 =	sand.u32 $0x1, s3  }
0x6: {  	s6 =	sshll.u32 s1, $0x1;
	[smem:$0x7FF] =	sst s2;
	s31 =	sshrl.u32 s1, $0x2  }
0x7: {  	s9 =	sor.u32 s3, s6;
	s3 =	ssub.s32 $0x2, s3;
	s6 =	smul.u32 $0x14000, s31  }
0x8: {  	_ =	strace $0x80000047;
	s7 =	sshll.u32 s9, $0x7;
	s10 =	smul.u32 $0x9C0, s9  }
.Ltmp0:
0x9: {  	s8 =	sshrl.u32 s3, $0x1;
	p0 =	sne.s32 s9, $0x1F;
	(pc) =	sbr.rel .LBB2_1-.Ltmp0, $4  }
0xa: {  	s9 =	simm.s32 $0x4E00;
	s7 =	sand.u32 $0x380, s7;
	s8 =	ssub.s32 s3, s8  }
0xb: {  	s6 =	sor.u32 s6, s7;
	s3 =	sadd.s32 s4, s10;
	s4 =	sadd.s32 $0x13800, s4  }
0xc: {  	s7 =	simm.s32 $0x1;
	s10 =	simm.s32 $0x80;
	s6 =	sshrl.u32 s6, $0x3  }
0xd: {  	v0 =	vimm.s32 $0x0;
	v1 =	vimm.s32 $0x1;
	s5 =	sadd.s32 s5, s6;
	s6 =	smax.u32 s8, $0x1;
	s8 =	simm.s32 $0x5200  }
.LBB2_8:
0xe: {  	_ =	sdelay $0x3  }
0xf: {  	[tilespmem:v2+s8+$0x0] =	vst.idx.add.s32.msk $0xffff, v1  }
.LBB2_9:
0x10: {  	s12 =	sadd.s32 $0x1, s12  }
0x11: {  	p1 =	sne.s32 s12, s6  }
.Ltmp1:
0x12: {  	_ = 	snop;
	(pc) =	sbr.rel @!p1 .LBB2_10-.Ltmp1, $4  }
0x13: {  	[hbm4b:s5+s10] =	stream.strided.scatter [tilespmem:s8], [sflag:$0x1], $0x2800, s11, s10, $0x38;
	[tilespmem:$0x7A00] =	vst v63  }
0x14: {  	_ =	swait.ge [sflag:s7], $0x2800  }
0x15: {  	[sflag:s7] =	ssyncset.done $0x0  }
0x16: {  	[sflag:s7] =	ssyncadd.s32 $0xFFFFD800  }
.LBB2_1:
0x17: {  	[tilespmem:s2], [sflag:$0x1] =	stream.linear.gather [hbm4b:s3+s2], $0x4E00, $0x38;
	[tilespmem:$0x7A00] =	vst v63  }
0x18: {  	_ =	swait.ge [sflag:s7], $0x4E00  }
0x19: {  	[sflag:s7] =	ssyncset.done $0x0  }
0x1a: {  	s14 =	simm.s32 $0x5240;
	[sflag:s7] =	ssyncadd.s32 $0xFFFFB200  }
0x1b: {  	[tilespmem:s14+$0xFFFFFFC0] =	vst v0  }
0x1c: {  	[tilespmem:s14+$0x30] =	vst v0  }
0x1d: {  	[tilespmem:s14+$0x20] =	vst v0  }
0x1e: {  	[tilespmem:s14+$0x10] =	vst v0  }
0x1f: {  	[tilespmem:s14+$0x0] =	vst v0  }
0x20: {  	[tilespmem:s14+$0xFFFFFFF0] =	vst v0  }
0x21: {  	s15 =	simm.s32 $0x0;
	s13 =	simm.s32 $0x100;
	[tilespmem:s14+$0xFFFFFFE0] =	vst v0  }
.LBB2_2:
0x22: {  	s15 =	sadd.s32 $0x8, s15;
	[tilespmem:s14+$0xFFFFFFD0] =	vst v0;
	s14 =	sadd.s32 $0x80, s14  }
0x23: {  	[tilespmem:s14+$0xFFFFFFC0] =	vst v0;
	p1 =	slt.u32 s15, $0x278  }
0x24: {  	[tilespmem:s14+$0x30] =	vst v0  }
.Ltmp2:
0x25: {  	[tilespmem:s14+$0x20] =	vst v0;
	(pc) =	sbr.rel @p1 .LBB2_2-.Ltmp2, $4  }
0x26: {  	[tilespmem:s14+$0x10] =	vst v0  }
0x27: {  	[tilespmem:s14+$0x0] =	vst v0  }
0x28: {  	[tilespmem:s14+$0xFFFFFFF0] =	vst v0  }
0x29: {  	[tilespmem:s14+$0xFFFFFFE0] =	vst v0  }
0x2a: {  	[tilespmem:s14+$0xFFFFFFD0] =	vst v0  }
0x2b: {  	v3 =	vld [tilespmem:s13+$0x30]  }
0x2c: {  	v4 =	vld [tilespmem:s13+$0x40]  }
0x2d: {  	v2 =	vld [tilespmem:s13+$0xFFFFFF00]  }
0x2e: {  	v5 =	vld [tilespmem:s13+$0x70]  }
0x2f: {  	v6 =	vld [tilespmem:s13+$0xFFFFFF50]  }
0x30: {  	v7 =	vld [tilespmem:s13+$0xFFFFFF60]  }
0x31: {  	v8 =	vld [tilespmem:s13+$0xFFFFFF70]  }
0x32: {  	v9 =	vld [tilespmem:s13+$0x0]  }
0x33: {  	v10 =	vld [tilespmem:s13+$0x60]  }
0x34: {  	v11 =	vld [tilespmem:s13+$0x50]  }
0x35: {  	v62 =	vld [tilespmem:s13+$0xFFFFFF20]  }
0x36: {  	v12 =	vld [tilespmem:s13+$0x20]  }
0x37: {  	v13 =	vld [tilespmem:s13+$0x10]  }
0x38: {  	v63 =	vld [tilespmem:s13+$0xFFFFFF30]  }
0x39: {  	[tilespmem:v2+s8+$0x0] =	vst.idx.add.s32.msk $0xffff, v1  }
0x3a: {  	[tilespmem:v5+s8+$0x0] =	vst.idx.add.s32.msk $0xffff, v1  }
0x3b: {  	v2 =	vld [tilespmem:s13+$0xFFFFFF10]  }
0x3c: {  	[tilespmem:v10+s8+$0x0] =	vst.idx.add.s32.msk $0xffff, v1  }
0x3d: {  	[tilespmem:v11+s8+$0x0] =	vst.idx.add.s32.msk $0xffff, v1  }
0x3e: {  	[tilespmem:v4+s8+$0x0] =	vst.idx.add.s32.msk $0xffff, v1  }
0x3f: {  	[tilespmem:v3+s8+$0x0] =	vst.idx.add.s32.msk $0xffff, v1  }
0x40: {  	v3 =	vld [tilespmem:s13+$0xFFFFFF40]  }
0x41: {  	[tilespmem:v12+s8+$0x0] =	vst.idx.add.s32.msk $0xffff, v1  }
0x42: {  	[tilespmem:v13+s8+$0x0] =	vst.idx.add.s32.msk $0xffff, v1  }
0x43: {  	[tilespmem:v9+s8+$0x0] =	vst.idx.add.s32.msk $0xffff, v1  }
0x44: {  	[tilespmem:v8+s8+$0x0] =	vst.idx.add.s32.msk $0xffff, v1  }
0x45: {  	[tilespmem:v7+s8+$0x0] =	vst.idx.add.s32.msk $0xffff, v1  }
0x46: {  	[tilespmem:v6+s8+$0x0] =	vst.idx.add.s32.msk $0xffff, v1  }
0x47: {  	[tilespmem:v63+s8+$0x0] =	vst.idx.add.s32.msk $0xffff, v1  }
0x48: {  	[tilespmem:v62+s8+$0x0] =	vst.idx.add.s32.msk $0xffff, v1  }
0x49: {  	s14 =	simm.s32 $0x0;
	[tilespmem:v3+s8+$0x0] =	vst.idx.add.s32.msk $0xffff, v1  }
.LBB2_4:
0x4a: {  	s14 =	sadd.s32 $0x10, s14;
	[tilespmem:v2+s8+$0x0] =	vst.idx.add.s32.msk $0xffff, v1;
	s13 =	sadd.s32 $0x200, s13  }
0x4b: {  	v3 =	vld [tilespmem:s13+$0x30];
	p1 =	slt.u32 s14, $0x260  }
0x4c: {  	v4 =	vld [tilespmem:s13+$0x40]  }
0x4d: {  	v2 =	vld [tilespmem:s13+$0xFFFFFF00]  }
0x4e: {  	v5 =	vld [tilespmem:s13+$0x70]  }
0x4f: {  	v6 =	vld [tilespmem:s13+$0xFFFFFF50]  }
0x50: {  	v7 =	vld [tilespmem:s13+$0xFFFFFF60]  }
0x51: {  	v8 =	vld [tilespmem:s13+$0xFFFFFF70]  }
0x52: {  	v9 =	vld [tilespmem:s13+$0x0]  }
0x53: {  	v10 =	vld [tilespmem:s13+$0x60]  }
0x54: {  	v11 =	vld [tilespmem:s13+$0x50]  }
0x55: {  	[tilespmem:v2+s8+$0x0] =	vst.idx.add.s32.msk $0xffff, v1  }
0x56: {  	[tilespmem:v5+s8+$0x0] =	vst.idx.add.s32.msk $0xffff, v1  }
0x57: {  	v2 =	vld [tilespmem:s13+$0xFFFFFF10]  }
0x58: {  	v5 =	vld [tilespmem:s13+$0xFFFFFF20]  }
0x59: {  	v12 =	vld [tilespmem:s13+$0x20]  }
0x5a: {  	v13 =	vld [tilespmem:s13+$0x10]  }
0x5b: {  	[tilespmem:v10+s8+$0x0] =	vst.idx.add.s32.msk $0xffff, v1  }
0x5c: {  	[tilespmem:v11+s8+$0x0] =	vst.idx.add.s32.msk $0xffff, v1  }
0x5d: {  	[tilespmem:v4+s8+$0x0] =	vst.idx.add.s32.msk $0xffff, v1  }
0x5e: {  	[tilespmem:v3+s8+$0x0] =	vst.idx.add.s32.msk $0xffff, v1  }
0x5f: {  	v3 =	vld [tilespmem:s13+$0xFFFFFF40]  }
0x60: {  	v4 =	vld [tilespmem:s13+$0xFFFFFF30]  }
0x61: {  	[tilespmem:v12+s8+$0x0] =	vst.idx.add.s32.msk $0xffff, v1  }
0x62: {  	[tilespmem:v13+s8+$0x0] =	vst.idx.add.s32.msk $0xffff, v1  }
0x63: {  	[tilespmem:v9+s8+$0x0] =	vst.idx.add.s32.msk $0xffff, v1  }
0x64: {  	[tilespmem:v8+s8+$0x0] =	vst.idx.add.s32.msk $0xffff, v1  }
.Ltmp3:
0x65: {  	[tilespmem:v7+s8+$0x0] =	vst.idx.add.s32.msk $0xffff, v1;
	(pc) =	sbr.rel @p1 .LBB2_4-.Ltmp3, $4  }
0x66: {  	[tilespmem:v6+s8+$0x0] =	vst.idx.add.s32.msk $0xffff, v1  }
0x67: {  	[tilespmem:v3+s8+$0x0] =	vst.idx.add.s32.msk $0xffff, v1  }
0x68: {  	[tilespmem:v4+s8+$0x0] =	vst.idx.add.s32.msk $0xffff, v1  }
0x69: {  	[tilespmem:v5+s8+$0x0] =	vst.idx.add.s32.msk $0xffff, v1  }
.Ltmp4:
0x6a: {  	_ = 	snop;
	(pc) =	sbr.rel @p0 .LBB2_9-.Ltmp4, $2  }
0x6b: {  	_ =	sdelay $0x2  }
0x6c: {  	[tilespmem:v2+s8+$0x0] =	vst.idx.add.s32.msk $0xffff, v1  }
0x6d: {  	[tilespmem:s9], [sflag:$0x1] =	stream.linear.gather [hbm4b:s4+s2], $0x400, $0x38;
	[tilespmem:$0x7A00] =	vst v63  }
0x6e: {  	_ =	swait.ge [sflag:s7], $0x400  }
0x6f: {  	[sflag:s7] =	ssyncset.done $0x0  }
0x70: {  	s13 =	simm.s32 $0x4E40;
	[sflag:s7] =	ssyncadd.s32 $0xFFFFFC00  }
0x71: {  	v3 =	vld [tilespmem:s13+$0xFFFFFFC0]  }
0x72: {  	v4 =	vld [tilespmem:s13+$0x30]  }
0x73: {  	v5 =	vld [tilespmem:s13+$0x20]  }
0x74: {  	v6 =	vld [tilespmem:s13+$0x10]  }
0x75: {  	v7 =	vld [tilespmem:s13+$0x0]  }
0x76: {  	v8 =	vld [tilespmem:s13+$0xFFFFFFF0]  }
0x77: {  	v9 =	vld [tilespmem:s13+$0xFFFFFFE0]  }
0x78: {  	v2 =	vld [tilespmem:s13+$0xFFFFFFD0]  }
0x79: {  	[tilespmem:v3+s8+$0x0] =	vst.idx.add.s32.msk $0xffff, v1  }
0x7a: {  	[tilespmem:v4+s8+$0x0] =	vst.idx.add.s32.msk $0xffff, v1  }
0x7b: {  	[tilespmem:v5+s8+$0x0] =	vst.idx.add.s32.msk $0xffff, v1  }
0x7c: {  	[tilespmem:v6+s8+$0x0] =	vst.idx.add.s32.msk $0xffff, v1  }
0x7d: {  	[tilespmem:v7+s8+$0x0] =	vst.idx.add.s32.msk $0xffff, v1  }
0x7e: {  	[tilespmem:v8+s8+$0x0] =	vst.idx.add.s32.msk $0xffff, v1  }
0x7f: {  	s14 =	simm.s32 $0x0;
	[tilespmem:v9+s8+$0x0] =	vst.idx.add.s32.msk $0xffff, v1  }
.LBB2_7:
0x80: {  	s14 =	sadd.s32 $0x8, s14;
	[tilespmem:v2+s8+$0x0] =	vst.idx.add.s32.msk $0xffff, v1;
	s13 =	sadd.s32 $0x100, s13  }
0x81: {  	v3 =	vld [tilespmem:s13+$0xFFFFFFC0];
	p1 =	slt.u32 s14, $0x18  }
0x82: {  	v4 =	vld [tilespmem:s13+$0x30]  }
0x83: {  	v5 =	vld [tilespmem:s13+$0x20]  }
0x84: {  	v6 =	vld [tilespmem:s13+$0x10]  }
0x85: {  	v7 =	vld [tilespmem:s13+$0x0]  }
0x86: {  	v8 =	vld [tilespmem:s13+$0xFFFFFFF0]  }
0x87: {  	v9 =	vld [tilespmem:s13+$0xFFFFFFE0]  }
0x88: {  	v2 =	vld [tilespmem:s13+$0xFFFFFFD0]  }
0x89: {  	[tilespmem:v3+s8+$0x0] =	vst.idx.add.s32.msk $0xffff, v1  }
0x8a: {  	[tilespmem:v4+s8+$0x0] =	vst.idx.add.s32.msk $0xffff, v1  }
.Ltmp5:
0x8b: {  	[tilespmem:v5+s8+$0x0] =	vst.idx.add.s32.msk $0xffff, v1;
	(pc) =	sbr.rel @p1 .LBB2_7-.Ltmp5, $4  }
0x8c: {  	[tilespmem:v6+s8+$0x0] =	vst.idx.add.s32.msk $0xffff, v1  }
0x8d: {  	[tilespmem:v7+s8+$0x0] =	vst.idx.add.s32.msk $0xffff, v1  }
0x8e: {  	[tilespmem:v8+s8+$0x0] =	vst.idx.add.s32.msk $0xffff, v1  }
0x8f: {  	[tilespmem:v9+s8+$0x0] =	vst.idx.add.s32.msk $0xffff, v1  }
.Ltmp6:
0x90: {  	_ = 	snop;
	(pc) =	sbr.rel .LBB2_8-.Ltmp6, $1  }
0x91: {  	_ =	sdelay $0x3  }
.LBB2_10:
0x92: {  	_ =	sfence.sel $0x180000  }
0x93: {  	[bflag:$0x0] =	sbarrier.arrive $0xFFFF  }
0x94: {  	p0 =	sne.s32 s1, $0x0;
	_ =	strace $0x90000047  }
0x95: {  	s0 =	sadd.s32 @!p0 $0x100000, s0;
	[bflag:$0x2] =	sbarrier.arrive $0xFFFF  }
0x96: {  	[sflag:s0] =	ssyncadd.tile.s32 @!p0 $0x1;
	_ =	shalt  }
.Lfunc_end2:
_tile_overlayer_lowered:
.L_overlay_start_2:
0x97: {  	(tag) =	ssettag $0x2  }
0x98: {  	s0 =	rddreg [dreg:$0x0];
	s2 =	stileid.u32  }
0x99: {  	s1 =	rddreg [dreg:$0x1];
	p0 =	sne.s32 s2, $0x0  }
0x9a: {  	s3 =	rddreg [dreg:$0x2];
	[bflag:$0x3] =	sbarrier.arrive $0xFFFF;
	s2 =	simm.s32 @!p0 $0x1C01  }
0x9b: {  	[timem:s3], [sflag:s2] =	dma.local @!p0 [hbm:s0], s1  }
0x9c: {  	s0 =	simm.s32 @!p0 $0x1  }
0x9d: {  	_ =	swait.ge @!p0 [sflag:s0], s1  }
0x9e: {  	s1 =	ssub.s32 @!p0 $0x0, s1;
	[sflag:s0] =	ssyncset.done @!p0 $0x0  }
0x9f: {  	[sflag:s0] =	ssyncadd.s32 @!p0 s1  }
0xa0: {  	[bflag:$0x3] =	sbarrier.arrive $0xFFFF  }
0xa1: {  	_ =	shalt  }

</sc_bundles>
